<compile_context>
chip_gen: v7x
topology: tpu7x:2x2x1
jax: 0.10.2.dev20260603
libtpu: 0.0.44.dev20260713+nightly
codegen_flags: <defaults>
</compile_context>

<pallas_src>
import jax
import jax.numpy as jnp
from jax import lax
from jax.experimental import pallas as pl
from jax.experimental.pallas import tpu as pltpu
from jax.experimental.pallas import tpu_sc as plsc

VOC = 1000000
D = 64
B = 16384
S = 200

NC = 2
NS = 16
NW = NC * NS
BPW = B // NW
C = 128
NCH = BPW // C
NB = B // C

_LANES = 16
_NACC = D // _LANES
SG = S // 8


def _prep_kernel(x_ref, o_ref):
    o_ref[...] = x_ref[...].T.reshape(SG, 1, 8, C)


def _cbow_kernel(idx_hbm, table_hbm, out_hbm, idxblk, acc, sem, lsem):
    wid = lax.axis_index("s") * NC + lax.axis_index("c")
    row0 = wid * BPW
    scale = jnp.float32(1.0 / S)

    def chunk(g, carry):
        base = row0 + g * C
        cb = base // C

        pltpu.async_copy(idx_hbm.at[:, cb], idxblk, lsem)

        def zero_step(i, c2):
            for c in range(_NACC):
                acc[i, pl.ds(c * _LANES, _LANES)] = jnp.zeros(
                    (_LANES,), jnp.float32)
            return c2

        lax.fori_loop(0, C, zero_step, 0)

        pltpu.make_async_copy(idx_hbm.at[:, cb], idxblk, lsem).wait()

        def fire(t, c2):
            for r in range(8):
                pltpu.async_copy(
                    table_hbm.at[plsc.Indices(idxblk.at[t, r]),
                                 pl.ds(0, D)],
                    acc, sem, add=True)
            return c2

        lax.fori_loop(0, SG, fire, 0)

        def drain(s2, c2):
            pltpu.make_async_copy(
                table_hbm.at[plsc.Indices(idxblk.at[0, 0]), pl.ds(0, D)],
                acc, sem).wait()
            return c2

        lax.fori_loop(0, S, drain, 0)

        def scale_step(i, c2):
            for c in range(_NACC):
                sl = pl.ds(c * _LANES, _LANES)
                acc[i, sl] = acc[i, sl] * scale
            return c2

        lax.fori_loop(0, C, scale_step, 0)
        pltpu.sync_copy(acc, out_hbm.at[pl.ds(base, C), :])
        return carry

    lax.fori_loop(0, NCH, chunk, 0)


@jax.jit
def _cbow(x, table):
    idx = pl.pallas_call(
        _prep_kernel,
        grid=(NB,),
        in_specs=[pl.BlockSpec((C, S), lambda i: (i, 0))],
        out_specs=pl.BlockSpec((SG, 1, 8, C), lambda i: (0, i, 0, 0)),
        out_shape=jax.ShapeDtypeStruct((SG, NB, 8, C), jnp.int32),
    )(x)

    mesh = plsc.VectorSubcoreMesh(
        core_axis_name="c", subcore_axis_name="s",
        num_cores=NC, num_subcores=NS)
    run = pl.kernel(
        _cbow_kernel,
        out_type=jax.ShapeDtypeStruct((B, D), jnp.float32),
        mesh=mesh,
        scratch_types=[
            pltpu.VMEM((SG, 8, C), jnp.int32),
            pltpu.VMEM((C, D), jnp.float32),
            pltpu.SemaphoreType.DMA,
            pltpu.SemaphoreType.DMA,
        ],
        compiler_params=pltpu.CompilerParams(
            use_tc_tiling_on_sc=False),
    )
    return run(idx, table)


def kernel(x, word_pos, x_char, unused, table):
    del word_pos, x_char, unused
    xi = x.astype(jnp.int32)
    return _cbow(xi, table)

# --- scband reference (transcript-rebuilt; emitter-appended) ---
"""Pipeline reference for scband-model-simple-word-emb-10402410791830 (READ-ONLY COPY).

The authoritative reference and input builder live on the scoring server;
editing this copy changes nothing except your own understanding.
"""

import jax, jax.numpy as jnp
import numpy as np

VOC_SIZE = 1000000
EMB_DIM = 64
BATCH = 16384
SEQ = 200

def setup_inputs(seed: int = 0) -> dict:
    key = jax.random.key(seed)
    k_x, k_pos, k_char, k_tab = jax.random.split(key, 4)
    x = jax.random.randint(k_x, (BATCH, SEQ), 0, VOC_SIZE, dtype=jnp.int64 if jax.config.read('jax_enable_x64') else jnp.int32)
    word_pos = jax.random.randint(k_pos, (BATCH, SEQ), 0, SEQ)
    x_char = jax.random.randint(k_char, (BATCH, SEQ), 0, 100)
    unused = jnp.zeros((1,), dtype=jnp.int32)
    table = jax.random.normal(k_tab, (VOC_SIZE, EMB_DIM), dtype=jnp.float32)
    return {"x": x, "word_pos": word_pos, "x_char": x_char, "unused": unused, "table": table}

def reference(x, word_pos, x_char, unused, table):
    # word_emb = self.embedding(x)
    word_emb = jnp.take(table, x, axis=0)
    # cbow = word_emb.mean(dim=1)
    cbow = jnp.mean(word_emb, axis=1)
    # dropout is identity in eval mode
    return cbow

if __name__ == "__main__":
    import jax
    _d = setup_inputs()
    print(jax.jit(kernel)(*tuple(_d.values())))

</pallas_src>

<mosaic_0001>
#map = affine_map<(d0, d1) -> (0, 0, 0, 0)>
#map1 = affine_map<(d0, d1) -> (0, 0)>
module attributes {stable_mosaic.version = 14 : i64} {
  func.func @_cbow_kernel(%arg0: i32, %arg1: i32, %arg2: memref<25x128x8x128xi32, #tpu.memory_space<hbm>>, %arg3: memref<1000000x64xf32, #tpu.memory_space<hbm>>, %arg4: memref<16384x64xf32, #tpu.memory_space<hbm>>, %arg5: memref<25x8x128xi32, #tpu.memory_space<vmem>>, %arg6: memref<128x64xf32, #tpu.memory_space<vmem>>, %arg7: memref<!tpu.dma_semaphore, #tpu.memory_space<semaphore_mem>>, %arg8: memref<!tpu.dma_semaphore, #tpu.memory_space<semaphore_mem>>) attributes {dimension_semantics = [#tpu.dimension_semantics<core_parallel>, #tpu.dimension_semantics<subcore_parallel>], iteration_bounds = array<i64: 2, 16>, scalar_prefetch = 0 : i64, scratch_operands = 4 : i64, tpu.core_type = #tpu.core_type<sc_vector_subcore>, window_params = [{transform_indices = #map}, {transform_indices = #map1}, {transform_indices = #map1}]} {
    %mul3A = arith.constant 2 : i32
    %mul3A_0 = arith.muli %arg1, %mul3A : i32
    %add3A = arith.addi %mul3A_0, %arg0 : i32
    %mul3A_1 = arith.constant 512 : i32
    %mul3A_2 = arith.muli %add3A, %mul3A_1 : i32
    %scan3A = arith.constant 0 : i32
    %scan3A_3 = arith.constant 5.000000e-03 : f32
    %scan3A_4 = arith.constant 0 : i32
    %scan3A_5 = arith.constant 4 : i32
    %scan3A_6 = arith.addi %scan3A_4, %scan3A_5 : i32
    %scan3A_7 = arith.constant 1 : i32
    scf.for %scan3A_9 = %scan3A_4 to %scan3A_6 step %scan3A_7  : i32 {
      %mul3A_10 = arith.constant 128 : i32
      %mul3A_11 = arith.muli %scan3A_9, %mul3A_10 : i32
      %add3A_12 = arith.addi %mul3A_2, %mul3A_11 : i32
      %jit3A = arith.constant 128 : i32
      %div3A = arith.divsi %add3A_12, %jit3A : i32
      %sign3A = arith.constant 0 : i32
      %sign3A_13 = arith.cmpi sgt, %add3A_12, %sign3A : i32
      %sign3A_14 = arith.extui %sign3A_13 : i1 to i32
      %sign3A_15 = arith.constant 0 : i32
      %sign3A_16 = arith.cmpi slt, %add3A_12, %sign3A_15 : i32
      %sign3A_17 = arith.extui %sign3A_16 : i1 to i32
      %sign3A_18 = arith.subi %sign3A_14, %sign3A_17 : i32
      %sign3A_19 = arith.constant 0 : i32
      %sign3A_20 = arith.cmpi sgt, %jit3A, %sign3A_19 : i32
      %sign3A_21 = arith.extui %sign3A_20 : i1 to i32
      %sign3A_22 = arith.constant 0 : i32
      %sign3A_23 = arith.cmpi slt, %jit3A, %sign3A_22 : i32
      %sign3A_24 = arith.extui %sign3A_23 : i1 to i32
      %sign3A_25 = arith.subi %sign3A_21, %sign3A_24 : i32
      %ne3A = arith.cmpi ne, %sign3A_18, %sign3A_25 : i32
      %rem3A = arith.remsi %add3A_12, %jit3A : i32
      %ne3A_26 = arith.constant 0 : i32
      %ne3A_27 = arith.cmpi ne, %rem3A, %ne3A_26 : i32
      %and3A = arith.andi %ne3A, %ne3A_27 : i1
      %sub3A = arith.constant 1 : i32
      %sub3A_28 = arith.subi %div3A, %sub3A : i32
      %select_n3A = arith.select %and3A, %sub3A_28, %div3A : i32
      %dma_start3A = arith.constant 0 : i32
      %dma_start3A_29 = arith.constant 0 : i32
      %dma_start3A_30 = arith.constant 0 : i32
      %dma_start3A_31 = tpu.memref_slice %arg2[%dma_start3A, %select_n3A, %dma_start3A_29, %dma_start3A_30] : memref<25x128x8x128xi32, #tpu.memory_space<hbm>> -> memref<25x1x8x128xi32, #tpu.memory_space<hbm>>
      %dma_start3A_32 = tpu.memref_squeeze %dma_start3A_31 : memref<25x1x8x128xi32, #tpu.memory_space<hbm>> -> memref<25x8x128xi32, #tpu.memory_space<hbm>>
      %dma_start3A_33 = arith.constant 0 : i32
      %dma_start3A_34 = arith.constant 0 : i32
      %dma_start3A_35 = arith.constant 0 : i32
      %dma_start3A_36 = tpu.memref_slice %arg2[%dma_start3A_33, %select_n3A, %dma_start3A_34, %dma_start3A_35] : memref<25x128x8x128xi32, #tpu.memory_space<hbm>> -> memref<25x1x8x128xi32, #tpu.memory_space<hbm>>
      %dma_start3A_37 = tpu.memref_squeeze %dma_start3A_36 : memref<25x1x8x128xi32, #tpu.memory_space<hbm>> -> memref<25x8x128xi32, #tpu.memory_space<hbm>>
      tpu.enqueue_dma source(%dma_start3A_37 : memref<25x8x128xi32, #tpu.memory_space<hbm>>) target(%arg5 : memref<25x8x128xi32, #tpu.memory_space<vmem>>) target_semaphore(%arg8 : memref<!tpu.dma_semaphore, #tpu.memory_space<semaphore_mem>>)
      %scan3A_38 = arith.constant 0 : i32
      %scan3A_39 = arith.constant 0 : i32
      %scan3A_40 = arith.constant 128 : i32
      %scan3A_41 = arith.addi %scan3A_39, %scan3A_40 : i32
      %scan3A_42 = arith.constant 1 : i32
      scf.for %scan3A_71 = %scan3A_39 to %scan3A_41 step %scan3A_42  : i32 {
        %broadcast_in_dim3A = arith.constant 0.000000e+00 : f32
        %broadcast_in_dim3A_72 = vector.broadcast %broadcast_in_dim3A : f32 to vector<16xf32>
        %swap3A = arith.index_cast %scan3A_71 : i32 to index
        %swap3A_73 = arith.constant 0 : index
        %swap3A_74 = tpu.vector_load %arg6[%swap3A, %swap3A_73] {strides = array<i32>} : memref<128x64xf32, #tpu.memory_space<vmem>>, vector<1x16xf32>,
        %swap3A_75 = vector.shape_cast %swap3A_74 : vector<1x16xf32> to vector<16xf32>
        %swap3A_76 = vector.shape_cast %broadcast_in_dim3A_72 : vector<16xf32> to vector<1x16xf32>
        tpu.vector_store %arg6[%swap3A, %swap3A_73], %swap3A_76 {strides = array<i32>} : memref<128x64xf32, #tpu.memory_space<vmem>>, vector<1x16xf32>,
        %broadcast_in_dim3A_77 = arith.constant 0.000000e+00 : f32
        %broadcast_in_dim3A_78 = vector.broadcast %broadcast_in_dim3A_77 : f32 to vector<16xf32>
        %swap3A_79 = arith.index_cast %scan3A_71 : i32 to index
        %swap3A_80 = arith.constant 16 : index
        %swap3A_81 = tpu.vector_load %arg6[%swap3A_79, %swap3A_80] {strides = array<i32>} : memref<128x64xf32, #tpu.memory_space<vmem>>, vector<1x16xf32>,
        %swap3A_82 = vector.shape_cast %swap3A_81 : vector<1x16xf32> to vector<16xf32>
        %swap3A_83 = vector.shape_cast %broadcast_in_dim3A_78 : vector<16xf32> to vector<1x16xf32>
        tpu.vector_store %arg6[%swap3A_79, %swap3A_80], %swap3A_83 {strides = array<i32>} : memref<128x64xf32, #tpu.memory_space<vmem>>, vector<1x16xf32>,
        %broadcast_in_dim3A_84 = arith.constant 0.000000e+00 : f32
        %broadcast_in_dim3A_85 = vector.broadcast %broadcast_in_dim3A_84 : f32 to vector<16xf32>
        %swap3A_86 = arith.index_cast %scan3A_71 : i32 to index
        %swap3A_87 = arith.constant 32 : index
        %swap3A_88 = tpu.vector_load %arg6[%swap3A_86, %swap3A_87] {strides = array<i32>} : memref<128x64xf32, #tpu.memory_space<vmem>>, vector<1x16xf32>,
        %swap3A_89 = vector.shape_cast %swap3A_88 : vector<1x16xf32> to vector<16xf32>
        %swap3A_90 = vector.shape_cast %broadcast_in_dim3A_85 : vector<16xf32> to vector<1x16xf32>
        tpu.vector_store %arg6[%swap3A_86, %swap3A_87], %swap3A_90 {strides = array<i32>} : memref<128x64xf32, #tpu.memory_space<vmem>>, vector<1x16xf32>,
        %broadcast_in_dim3A_91 = arith.constant 0.000000e+00 : f32
        %broadcast_in_dim3A_92 = vector.broadcast %broadcast_in_dim3A_91 : f32 to vector<16xf32>
        %swap3A_93 = arith.index_cast %scan3A_71 : i32 to index
        %swap3A_94 = arith.constant 48 : index
        %swap3A_95 = tpu.vector_load %arg6[%swap3A_93, %swap3A_94] {strides = array<i32>} : memref<128x64xf32, #tpu.memory_space<vmem>>, vector<1x16xf32>,
        %swap3A_96 = vector.shape_cast %swap3A_95 : vector<1x16xf32> to vector<16xf32>
        %swap3A_97 = vector.shape_cast %broadcast_in_dim3A_92 : vector<16xf32> to vector<1x16xf32>
        tpu.vector_store %arg6[%swap3A_93, %swap3A_94], %swap3A_97 {strides = array<i32>} : memref<128x64xf32, #tpu.memory_space<vmem>>, vector<1x16xf32>,
      }
      %scan3A_43 = arith.constant 128 : i32
      %dma_wait3A = arith.constant 0 : i32
      %dma_wait3A_44 = arith.constant 0 : i32
      %dma_wait3A_45 = arith.constant 0 : i32
      %dma_wait3A_46 = tpu.memref_slice %arg2[%dma_wait3A, %select_n3A, %dma_wait3A_44, %dma_wait3A_45] : memref<25x128x8x128xi32, #tpu.memory_space<hbm>> -> memref<25x1x8x128xi32, #tpu.memory_space<hbm>>
      %dma_wait3A_47 = tpu.memref_squeeze %dma_wait3A_46 : memref<25x1x8x128xi32, #tpu.memory_space<hbm>> -> memref<25x8x128xi32, #tpu.memory_space<hbm>>
      %dma_wait3A_48 = arith.constant 0 : i32
      %dma_wait3A_49 = arith.constant 0 : i32
      %dma_wait3A_50 = arith.constant 0 : i32
      %dma_wait3A_51 = tpu.memref_slice %arg2[%dma_wait3A_48, %select_n3A, %dma_wait3A_49, %dma_wait3A_50] : memref<25x128x8x128xi32, #tpu.memory_space<hbm>> -> memref<25x1x8x128xi32, #tpu.memory_space<hbm>>
      %dma_wait3A_52 = tpu.memref_squeeze %dma_wait3A_51 : memref<25x1x8x128xi32, #tpu.memory_space<hbm>> -> memref<25x8x128xi32, #tpu.memory_space<hbm>>
      tpu.wait_dma2 semaphore(%arg8 : memref<!tpu.dma_semaphore, #tpu.memory_space<semaphore_mem>>) src(%dma_wait3A_52 : memref<25x8x128xi32, #tpu.memory_space<hbm>>) dst(%arg5 : memref<25x8x128xi32, #tpu.memory_space<vmem>>)
      %scan3A_53 = arith.constant 0 : i32
      %scan3A_54 = arith.constant 0 : i32
      %scan3A_55 = arith.constant 25 : i32
      %scan3A_56 = arith.addi %scan3A_54, %scan3A_55 : i32
      %scan3A_57 = arith.constant 1 : i32
      scf.for %scan3A_71 = %scan3A_54 to %scan3A_56 step %scan3A_57  : i32 {
        %dma_start3A_72 = arith.constant 0 : i32
        %dma_start3A_73 = arith.constant 0 : i32
        %dma_start3A_74 = tpu.memref_slice %arg5[%scan3A_71, %dma_start3A_72, %dma_start3A_73] : memref<25x8x128xi32, #tpu.memory_space<vmem>> -> memref<1x1x128xi32, #tpu.memory_space<vmem>>
        %dma_start3A_75 = tpu.memref_squeeze %dma_start3A_74 : memref<1x1x128xi32, #tpu.memory_space<vmem>> -> memref<128xi32, #tpu.memory_space<vmem>>
        %dma_start3A_76 = arith.constant 0 : i32
        %dma_start3A_77 = arith.constant 0 : i32
        %dma_start3A_78 = tpu.memref_slice %arg3[%dma_start3A_76, %dma_start3A_77] : memref<1000000x64xf32, #tpu.memory_space<hbm>> -> memref<1000000x64xf32, #tpu.memory_space<hbm>>
        tpu.enqueue_indirect_dma source(%dma_start3A_78 : memref<1000000x64xf32, #tpu.memory_space<hbm>>) target(%arg6 : memref<128x64xf32, #tpu.memory_space<vmem>>) offsets(%dma_start3A_75 : memref<128xi32, #tpu.memory_space<vmem>>) semaphore(%arg7 : memref<!tpu.dma_semaphore, #tpu.memory_space<semaphore_mem>>) {add = true}
        %dma_start3A_79 = arith.constant 1 : i32
        %dma_start3A_80 = arith.constant 0 : i32
        %dma_start3A_81 = tpu.memref_slice %arg5[%scan3A_71, %dma_start3A_79, %dma_start3A_80] : memref<25x8x128xi32, #tpu.memory_space<vmem>> -> memref<1x1x128xi32, #tpu.memory_space<vmem>>
        %dma_start3A_82 = tpu.memref_squeeze %dma_start3A_81 : memref<1x1x128xi32, #tpu.memory_space<vmem>> -> memref<128xi32, #tpu.memory_space<vmem>>
        %dma_start3A_83 = arith.constant 0 : i32
        %dma_start3A_84 = arith.constant 0 : i32
        %dma_start3A_85 = tpu.memref_slice %arg3[%dma_start3A_83, %dma_start3A_84] : memref<1000000x64xf32, #tpu.memory_space<hbm>> -> memref<1000000x64xf32, #tpu.memory_space<hbm>>
        tpu.enqueue_indirect_dma source(%dma_start3A_85 : memref<1000000x64xf32, #tpu.memory_space<hbm>>) target(%arg6 : memref<128x64xf32, #tpu.memory_space<vmem>>) offsets(%dma_start3A_82 : memref<128xi32, #tpu.memory_space<vmem>>) semaphore(%arg7 : memref<!tpu.dma_semaphore, #tpu.memory_space<semaphore_mem>>) {add = true}
        %dma_start3A_86 = arith.constant 2 : i32
        %dma_start3A_87 = arith.constant 0 : i32
        %dma_start3A_88 = tpu.memref_slice %arg5[%scan3A_71, %dma_start3A_86, %dma_start3A_87] : memref<25x8x128xi32, #tpu.memory_space<vmem>> -> memref<1x1x128xi32, #tpu.memory_space<vmem>>
        %dma_start3A_89 = tpu.memref_squeeze %dma_start3A_88 : memref<1x1x128xi32, #tpu.memory_space<vmem>> -> memref<128xi32, #tpu.memory_space<vmem>>
        %dma_start3A_90 = arith.constant 0 : i32
        %dma_start3A_91 = arith.constant 0 : i32
        %dma_start3A_92 = tpu.memref_slice %arg3[%dma_start3A_90, %dma_start3A_91] : memref<1000000x64xf32, #tpu.memory_space<hbm>> -> memref<1000000x64xf32, #tpu.memory_space<hbm>>
        tpu.enqueue_indirect_dma source(%dma_start3A_92 : memref<1000000x64xf32, #tpu.memory_space<hbm>>) target(%arg6 : memref<128x64xf32, #tpu.memory_space<vmem>>) offsets(%dma_start3A_89 : memref<128xi32, #tpu.memory_space<vmem>>) semaphore(%arg7 : memref<!tpu.dma_semaphore, #tpu.memory_space<semaphore_mem>>) {add = true}
        %dma_start3A_93 = arith.constant 3 : i32
        %dma_start3A_94 = arith.constant 0 : i32
        %dma_start3A_95 = tpu.memref_slice %arg5[%scan3A_71, %dma_start3A_93, %dma_start3A_94] : memref<25x8x128xi32, #tpu.memory_space<vmem>> -> memref<1x1x128xi32, #tpu.memory_space<vmem>>
        %dma_start3A_96 = tpu.memref_squeeze %dma_start3A_95 : memref<1x1x128xi32, #tpu.memory_space<vmem>> -> memref<128xi32, #tpu.memory_space<vmem>>
        %dma_start3A_97 = arith.constant 0 : i32
        %dma_start3A_98 = arith.constant 0 : i32
        %dma_start3A_99 = tpu.memref_slice %arg3[%dma_start3A_97, %dma_start3A_98] : memref<1000000x64xf32, #tpu.memory_space<hbm>> -> memref<1000000x64xf32, #tpu.memory_space<hbm>>
        tpu.enqueue_indirect_dma source(%dma_start3A_99 : memref<1000000x64xf32, #tpu.memory_space<hbm>>) target(%arg6 : memref<128x64xf32, #tpu.memory_space<vmem>>) offsets(%dma_start3A_96 : memref<128xi32, #tpu.memory_space<vmem>>) semaphore(%arg7 : memref<!tpu.dma_semaphore, #tpu.memory_space<semaphore_mem>>) {add = true}
        %dma_start3A_100 = arith.constant 4 : i32
        %dma_start3A_101 = arith.constant 0 : i32
        %dma_start3A_102 = tpu.memref_slice %arg5[%scan3A_71, %dma_start3A_100, %dma_start3A_101] : memref<25x8x128xi32, #tpu.memory_space<vmem>> -> memref<1x1x128xi32, #tpu.memory_space<vmem>>
        %dma_start3A_103 = tpu.memref_squeeze %dma_start3A_102 : memref<1x1x128xi32, #tpu.memory_space<vmem>> -> memref<128xi32, #tpu.memory_space<vmem>>
        %dma_start3A_104 = arith.constant 0 : i32
        %dma_start3A_105 = arith.constant 0 : i32
        %dma_start3A_106 = tpu.memref_slice %arg3[%dma_start3A_104, %dma_start3A_105] : memref<1000000x64xf32, #tpu.memory_space<hbm>> -> memref<1000000x64xf32, #tpu.memory_space<hbm>>
        tpu.enqueue_indirect_dma source(%dma_start3A_106 : memref<1000000x64xf32, #tpu.memory_space<hbm>>) target(%arg6 : memref<128x64xf32, #tpu.memory_space<vmem>>) offsets(%dma_start3A_103 : memref<128xi32, #tpu.memory_space<vmem>>) semaphore(%arg7 : memref<!tpu.dma_semaphore, #tpu.memory_space<semaphore_mem>>) {add = true}
        %dma_start3A_107 = arith.constant 5 : i32
        %dma_start3A_108 = arith.constant 0 : i32
        %dma_start3A_109 = tpu.memref_slice %arg5[%scan3A_71, %dma_start3A_107, %dma_start3A_108] : memref<25x8x128xi32, #tpu.memory_space<vmem>> -> memref<1x1x128xi32, #tpu.memory_space<vmem>>
        %dma_start3A_110 = tpu.memref_squeeze %dma_start3A_109 : memref<1x1x128xi32, #tpu.memory_space<vmem>> -> memref<128xi32, #tpu.memory_space<vmem>>
        %dma_start3A_111 = arith.constant 0 : i32
        %dma_start3A_112 = arith.constant 0 : i32
        %dma_start3A_113 = tpu.memref_slice %arg3[%dma_start3A_111, %dma_start3A_112] : memref<1000000x64xf32, #tpu.memory_space<hbm>> -> memref<1000000x64xf32, #tpu.memory_space<hbm>>
        tpu.enqueue_indirect_dma source(%dma_start3A_113 : memref<1000000x64xf32, #tpu.memory_space<hbm>>) target(%arg6 : memref<128x64xf32, #tpu.memory_space<vmem>>) offsets(%dma_start3A_110 : memref<128xi32, #tpu.memory_space<vmem>>) semaphore(%arg7 : memref<!tpu.dma_semaphore, #tpu.memory_space<semaphore_mem>>) {add = true}
        %dma_start3A_114 = arith.constant 6 : i32
        %dma_start3A_115 = arith.constant 0 : i32
        %dma_start3A_116 = tpu.memref_slice %arg5[%scan3A_71, %dma_start3A_114, %dma_start3A_115] : memref<25x8x128xi32, #tpu.memory_space<vmem>> -> memref<1x1x128xi32, #tpu.memory_space<vmem>>
        %dma_start3A_117 = tpu.memref_squeeze %dma_start3A_116 : memref<1x1x128xi32, #tpu.memory_space<vmem>> -> memref<128xi32, #tpu.memory_space<vmem>>
        %dma_start3A_118 = arith.constant 0 : i32
        %dma_start3A_119 = arith.constant 0 : i32
        %dma_start3A_120 = tpu.memref_slice %arg3[%dma_start3A_118, %dma_start3A_119] : memref<1000000x64xf32, #tpu.memory_space<hbm>> -> memref<1000000x64xf32, #tpu.memory_space<hbm>>
        tpu.enqueue_indirect_dma source(%dma_start3A_120 : memref<1000000x64xf32, #tpu.memory_space<hbm>>) target(%arg6 : memref<128x64xf32, #tpu.memory_space<vmem>>) offsets(%dma_start3A_117 : memref<128xi32, #tpu.memory_space<vmem>>) semaphore(%arg7 : memref<!tpu.dma_semaphore, #tpu.memory_space<semaphore_mem>>) {add = true}
        %dma_start3A_121 = arith.constant 7 : i32
        %dma_start3A_122 = arith.constant 0 : i32
        %dma_start3A_123 = tpu.memref_slice %arg5[%scan3A_71, %dma_start3A_121, %dma_start3A_122] : memref<25x8x128xi32, #tpu.memory_space<vmem>> -> memref<1x1x128xi32, #tpu.memory_space<vmem>>
        %dma_start3A_124 = tpu.memref_squeeze %dma_start3A_123 : memref<1x1x128xi32, #tpu.memory_space<vmem>> -> memref<128xi32, #tpu.memory_space<vmem>>
        %dma_start3A_125 = arith.constant 0 : i32
        %dma_start3A_126 = arith.constant 0 : i32
        %dma_start3A_127 = tpu.memref_slice %arg3[%dma_start3A_125, %dma_start3A_126] : memref<1000000x64xf32, #tpu.memory_space<hbm>> -> memref<1000000x64xf32, #tpu.memory_space<hbm>>
        tpu.enqueue_indirect_dma source(%dma_start3A_127 : memref<1000000x64xf32, #tpu.memory_space<hbm>>) target(%arg6 : memref<128x64xf32, #tpu.memory_space<vmem>>) offsets(%dma_start3A_124 : memref<128xi32, #tpu.memory_space<vmem>>) semaphore(%arg7 : memref<!tpu.dma_semaphore, #tpu.memory_space<semaphore_mem>>) {add = true}
      }
      %scan3A_58 = arith.constant 25 : i32
      %scan3A_59 = arith.constant 0 : i32
      %scan3A_60 = arith.constant 0 : i32
      %scan3A_61 = arith.constant 200 : i32
      %scan3A_62 = arith.addi %scan3A_60, %scan3A_61 : i32
      %scan3A_63 = arith.constant 1 : i32
      scf.for %scan3A_71 = %scan3A_60 to %scan3A_62 step %scan3A_63  : i32 {
        %dma_wait3A_72 = arith.constant 0 : i32
        %dma_wait3A_73 = arith.constant 0 : i32
        %dma_wait3A_74 = arith.constant 0 : i32
        %dma_wait3A_75 = tpu.memref_slice %arg5[%dma_wait3A_72, %dma_wait3A_73, %dma_wait3A_74] : memref<25x8x128xi32, #tpu.memory_space<vmem>> -> memref<1x1x128xi32, #tpu.memory_space<vmem>>
        %dma_wait3A_76 = tpu.memref_squeeze %dma_wait3A_75 : memref<1x1x128xi32, #tpu.memory_space<vmem>> -> memref<128xi32, #tpu.memory_space<vmem>>
        %dma_wait3A_77 = arith.constant 0 : i32
        %dma_wait3A_78 = arith.constant 0 : i32
        %dma_wait3A_79 = tpu.memref_slice %arg3[%dma_wait3A_77, %dma_wait3A_78] : memref<1000000x64xf32, #tpu.memory_space<hbm>> -> memref<1000000x64xf32, #tpu.memory_space<hbm>>
        tpu.wait_indirect_dma semaphore(%arg7 : memref<!tpu.dma_semaphore, #tpu.memory_space<semaphore_mem>>) src(%dma_wait3A_79 : memref<1000000x64xf32, #tpu.memory_space<hbm>>) dst(%arg6 : memref<128x64xf32, #tpu.memory_space<vmem>>)
      }
      %scan3A_64 = arith.constant 200 : i32
      %scan3A_65 = arith.constant 0 : i32
      %scan3A_66 = arith.constant 0 : i32
      %scan3A_67 = arith.constant 128 : i32
      %scan3A_68 = arith.addi %scan3A_66, %scan3A_67 : i32
      %scan3A_69 = arith.constant 1 : i32
      scf.for %scan3A_71 = %scan3A_66 to %scan3A_68 step %scan3A_69  : i32 {
        %get3A = arith.index_cast %scan3A_71 : i32 to index
        %get3A_72 = arith.constant 0 : index
        %get3A_73 = tpu.vector_load %arg6[%get3A, %get3A_72] {strides = array<i32>} : memref<128x64xf32, #tpu.memory_space<vmem>>, vector<1x16xf32>,
        %get3A_74 = vector.shape_cast %get3A_73 : vector<1x16xf32> to vector<16xf32>
        %mul3A_75 = vector.broadcast %scan3A_3 : f32 to vector<16xf32>
        %mul3A_76 = arith.mulf %get3A_74, %mul3A_75 : vector<16xf32>
        %swap3A = arith.index_cast %scan3A_71 : i32 to index
        %swap3A_77 = arith.constant 0 : index
        %swap3A_78 = tpu.vector_load %arg6[%swap3A, %swap3A_77] {strides = array<i32>} : memref<128x64xf32, #tpu.memory_space<vmem>>, vector<1x16xf32>,
        %swap3A_79 = vector.shape_cast %swap3A_78 : vector<1x16xf32> to vector<16xf32>
        %swap3A_80 = vector.shape_cast %mul3A_76 : vector<16xf32> to vector<1x16xf32>
        tpu.vector_store %arg6[%swap3A, %swap3A_77], %swap3A_80 {strides = array<i32>} : memref<128x64xf32, #tpu.memory_space<vmem>>, vector<1x16xf32>,
        %get3A_81 = arith.index_cast %scan3A_71 : i32 to index
        %get3A_82 = arith.constant 16 : index
        %get3A_83 = tpu.vector_load %arg6[%get3A_81, %get3A_82] {strides = array<i32>} : memref<128x64xf32, #tpu.memory_space<vmem>>, vector<1x16xf32>,
        %get3A_84 = vector.shape_cast %get3A_83 : vector<1x16xf32> to vector<16xf32>
        %mul3A_85 = vector.broadcast %scan3A_3 : f32 to vector<16xf32>
        %mul3A_86 = arith.mulf %get3A_84, %mul3A_85 : vector<16xf32>
        %swap3A_87 = arith.index_cast %scan3A_71 : i32 to index
        %swap3A_88 = arith.constant 16 : index
        %swap3A_89 = tpu.vector_load %arg6[%swap3A_87, %swap3A_88] {strides = array<i32>} : memref<128x64xf32, #tpu.memory_space<vmem>>, vector<1x16xf32>,
        %swap3A_90 = vector.shape_cast %swap3A_89 : vector<1x16xf32> to vector<16xf32>
        %swap3A_91 = vector.shape_cast %mul3A_86 : vector<16xf32> to vector<1x16xf32>
        tpu.vector_store %arg6[%swap3A_87, %swap3A_88], %swap3A_91 {strides = array<i32>} : memref<128x64xf32, #tpu.memory_space<vmem>>, vector<1x16xf32>,
        %get3A_92 = arith.index_cast %scan3A_71 : i32 to index
        %get3A_93 = arith.constant 32 : index
        %get3A_94 = tpu.vector_load %arg6[%get3A_92, %get3A_93] {strides = array<i32>} : memref<128x64xf32, #tpu.memory_space<vmem>>, vector<1x16xf32>,
        %get3A_95 = vector.shape_cast %get3A_94 : vector<1x16xf32> to vector<16xf32>
        %mul3A_96 = vector.broadcast %scan3A_3 : f32 to vector<16xf32>
        %mul3A_97 = arith.mulf %get3A_95, %mul3A_96 : vector<16xf32>
        %swap3A_98 = arith.index_cast %scan3A_71 : i32 to index
        %swap3A_99 = arith.constant 32 : index
        %swap3A_100 = tpu.vector_load %arg6[%swap3A_98, %swap3A_99] {strides = array<i32>} : memref<128x64xf32, #tpu.memory_space<vmem>>, vector<1x16xf32>,
        %swap3A_101 = vector.shape_cast %swap3A_100 : vector<1x16xf32> to vector<16xf32>
        %swap3A_102 = vector.shape_cast %mul3A_97 : vector<16xf32> to vector<1x16xf32>
        tpu.vector_store %arg6[%swap3A_98, %swap3A_99], %swap3A_102 {strides = array<i32>} : memref<128x64xf32, #tpu.memory_space<vmem>>, vector<1x16xf32>,
        %get3A_103 = arith.index_cast %scan3A_71 : i32 to index
        %get3A_104 = arith.constant 48 : index
        %get3A_105 = tpu.vector_load %arg6[%get3A_103, %get3A_104] {strides = array<i32>} : memref<128x64xf32, #tpu.memory_space<vmem>>, vector<1x16xf32>,
        %get3A_106 = vector.shape_cast %get3A_105 : vector<1x16xf32> to vector<16xf32>
        %mul3A_107 = vector.broadcast %scan3A_3 : f32 to vector<16xf32>
        %mul3A_108 = arith.mulf %get3A_106, %mul3A_107 : vector<16xf32>
        %swap3A_109 = arith.index_cast %scan3A_71 : i32 to index
        %swap3A_110 = arith.constant 48 : index
        %swap3A_111 = tpu.vector_load %arg6[%swap3A_109, %swap3A_110] {strides = array<i32>} : memref<128x64xf32, #tpu.memory_space<vmem>>, vector<1x16xf32>,
        %swap3A_112 = vector.shape_cast %swap3A_111 : vector<1x16xf32> to vector<16xf32>
        %swap3A_113 = vector.shape_cast %mul3A_108 : vector<16xf32> to vector<1x16xf32>
        tpu.vector_store %arg6[%swap3A_109, %swap3A_110], %swap3A_113 {strides = array<i32>} : memref<128x64xf32, #tpu.memory_space<vmem>>, vector<1x16xf32>,
      }
      %scan3A_70 = arith.constant 128 : i32
      "tpu.region"() ({
        %run_scoped3A = tpu.sem_alloc : memref<!tpu.dma_semaphore, #tpu.memory_space<semaphore_mem>>
        %dma_start3A_71 = arith.constant 0 : i32
        %dma_start3A_72 = tpu.memref_slice %arg4[%add3A_12, %dma_start3A_71] : memref<16384x64xf32, #tpu.memory_space<hbm>> -> memref<128x64xf32, #tpu.memory_space<hbm>>
        %dma_start3A_73 = arith.constant 0 : i32
        %dma_start3A_74 = tpu.memref_slice %arg4[%add3A_12, %dma_start3A_73] : memref<16384x64xf32, #tpu.memory_space<hbm>> -> memref<128x64xf32, #tpu.memory_space<hbm>>
        tpu.enqueue_dma source(%arg6 : memref<128x64xf32, #tpu.memory_space<vmem>>) target(%dma_start3A_74 : memref<128x64xf32, #tpu.memory_space<hbm>>) target_semaphore(%run_scoped3A : memref<!tpu.dma_semaphore, #tpu.memory_space<semaphore_mem>>)
        %dma_wait3A_75 = arith.constant 0 : i32
        %dma_wait3A_76 = tpu.memref_slice %arg4[%add3A_12, %dma_wait3A_75] : memref<16384x64xf32, #tpu.memory_space<hbm>> -> memref<128x64xf32, #tpu.memory_space<hbm>>
        %dma_wait3A_77 = arith.constant 0 : i32
        %dma_wait3A_78 = tpu.memref_slice %arg4[%add3A_12, %dma_wait3A_77] : memref<16384x64xf32, #tpu.memory_space<hbm>> -> memref<128x64xf32, #tpu.memory_space<hbm>>
        tpu.wait_dma2 semaphore(%run_scoped3A : memref<!tpu.dma_semaphore, #tpu.memory_space<semaphore_mem>>) src(%arg6 : memref<128x64xf32, #tpu.memory_space<vmem>>) dst(%dma_wait3A_78 : memref<128x64xf32, #tpu.memory_space<hbm>>)
        tpu.yield
      }) : () -> ()
    }
    %scan3A_8 = arith.constant 4 : i32
    return
  }
}

module attributes {stable_mosaic.version = 14 : i64} {
  func.func @_prep_kernel(%arg0: i32, %arg1: memref<128x200xi32, #tpu.memory_space<vmem>>, %arg2: memref<25x1x8x128xi32, #tpu.memory_space<vmem>>) attributes {dimension_semantics = [#tpu.dimension_semantics<arbitrary>], iteration_bounds = array<i64: 128>, scalar_prefetch = 0 : i64, scratch_operands = 0 : i64, tpu.core_type = #tpu.core_type<tc>, window_params = [{transform_indices = @transform_0, window_bounds = array<i64: 128, 200>}, {transform_indices = @transform_1, window_bounds = array<i64: 25, 1, 8, 128>}]} {
    %get3A = arith.constant 0 : index
    %get3A_0 = arith.constant 0 : index
    %get3A_1 = vector.load %arg1[%get3A, %get3A_0] : memref<128x200xi32, #tpu.memory_space<vmem>>, vector<128x200xi32>
    %transpose3A = tpu.transpose %get3A_1, [1, 0] : vector<128x200xi32> -> vector<200x128xi32>
    %reshape3A = vector.shape_cast %transpose3A : vector<200x128xi32> to vector<25x1x8x128xi32>
    %swap3A = arith.constant 0 : index
    %swap3A_2 = arith.constant 0 : index
    %swap3A_3 = arith.constant 0 : index
    %swap3A_4 = arith.constant 0 : index
    %swap3A_5 = vector.load %arg2[%swap3A, %swap3A_2, %swap3A_3, %swap3A_4] : memref<25x1x8x128xi32, #tpu.memory_space<vmem>>, vector<25x1x8x128xi32>
    tpu.vector_store %arg2[%swap3A, %swap3A_2, %swap3A_3, %swap3A_4], %reshape3A {strides = array<i32>} : memref<25x1x8x128xi32, #tpu.memory_space<vmem>>, vector<25x1x8x128xi32>,
    return
  }
  func.func @transform_0(%arg0: i32) -> (i32, i32) {
    %c0_i32 = arith.constant 0 : i32
    %c0_i32_0 = arith.constant 0 : i32
    return %arg0, %c0_i32 : i32, i32
  }
  func.func @transform_1(%arg0: i32) -> (i32, i32, i32, i32) {
    %c0_i32 = arith.constant 0 : i32
    %c0_i32_0 = arith.constant 0 : i32
    %c0_i32_1 = arith.constant 0 : i32
    %c0_i32_2 = arith.constant 0 : i32
    return %c0_i32, %arg0, %c0_i32_0, %c0_i32_1 : i32, i32, i32, i32
  }
}

</mosaic_0001>

<sc_bundles>
// kernel: _cbow.4.cloned.1.call-start
scs
__scs_entry_jumppad:
0x0: {  	(pc) =	sbr.rel $0x88, $3  }
0x1: {  	(tag) =	ssettag $0x0;
	lr =	simm.s32 $0x1  }
0x2: {  	[smem:$0x3F9F] =	sst lr;
	_ =	strace $0xD0000000  }
0x3: {  	_ = 	snop  }
0x4: {  	_ = 	snop  }
0x5: {  	_ = 	snop  }
0x6: {  	_ = 	snop  }
0x7: {  	_ = 	snop  }
__scs_overlays_trampoline_lowered:
0x8: {  	[smem:$0x3FAE] =	sst s0  }
0x9: {  	[smem:$0x3FAF] =	sst s1  }
0xa: {  	[smem:$0x3FB0] =	sst s2  }
0xb: {  	[smem:$0x3FB1] =	sst s3  }
0xc: {  	[smem:$0x3FB2] =	sst s4  }
0xd: {  	[smem:$0x3FB3] =	sst s5  }
0xe: {  	[smem:$0x3FB4] =	sst s6  }
0xf: {  	[smem:$0x3FB5] =	sst s7  }
0x10: {  	[smem:$0x3FB6] =	sst s8  }
0x11: {  	[smem:$0x3FB7] =	sst s9;
	s0 =	simm.s32 @!p0 $0x0  }
0x12: {  	s1 =	sld [smem:$0x3F9D];
	s0 =	simm.s32 @p0 $0x1  }
0x13: {  	[smem:$0x3FB8] =	sst s0;
	s0 =	simm.s32 @!p1 $0x0  }
0x14: {  	s2 =	sld [smem:$0x3F9C];
	s0 =	simm.s32 @p1 $0x1  }
0x15: {  	[smem:$0x3FB9] =	sst s0;
	s0 =	simm.s32 @!p2 $0x0  }
0x16: {  	s3 =	sld [smem:$0x3FDB];
	s0 =	simm.s32 @p2 $0x1  }
0x17: {  	s4 =	simm.s32 $0x1BF5;
	[smem:$0x3FBB] =	sst s0  }
0x18: {  	s0 =	sld [smem:$0x3F9E];
	_ =	swait.ge [sflag:s4], $0x0  }
0x19: {  	s7 =	sld [smem:$0x3F9F]  }
0x1a: {  	s8 =	sadd.s32 $0xFFFFE003, lr  }
0x1b: {  	s9 =	sadd.s32 $0xFFFFFEF7, lr;
	s5 =	simm.s32 $0xFFFFFFFF;
	p2 =	slt.u32 s8, $0xFFFFF086  }
0x1c: {  	p1 =	slt.u32 s9, $0xF7A;
	s5 =	simm.s32 @!p2 $0x0  }
0x1d: {  	s5 =	simm.s32 @p1 $0x1;
	p0 =	seq.s32 s7, s2  }
0x1e: {  	s7 =	smul.u32 @!p0 $0xF7A, s2;
	p2 =	seq.s32 @!p0 s5, $0x0  }
0x1f: {  	s9 =	smul.u32 $0xF7A, s1;
	s8 =	simm.s32 @!p0 $0x1BF5;
	p2 =	por !p2, p0  }
0x20: {  	[sflag:s8] =	ssyncset.s32 @!p0 $0xFFFFF086;
	s6 =	sadd.s32 @!p0 s3, s7;
	s7 =	simm.s32 @!p0 $0x108  }
0x21: {  	s3 =	sadd.s32 s3, s9;
	s6 =	sadd.s32 @!p0 $0x88, s6;
	s7 =	simm.s32 @p2 $0x1082  }
0x22: {  	[simem:s7], [sflag:s8] =	dma.local @!p0 [hbm:s6], $0xF7A  }
0x23: {  	s9 =	sor.u32 $0xD0000000, s2;
	s6 =	simm.s32 $0x108;
	_ =	swait.ge @!p0 [sflag:s8], $0x0  }
0x24: {  	s3 =	sadd.s32 $0x88, s3;
	s6 =	simm.s32 @!p1 $0x1082;
	[sflag:s4] =	ssyncset.s32 $0xFFFFF086  }
0x25: {  	[simem:s6], [sflag:s4] =	dma.local [hbm:s3], $0xF7A  }
0x26: {  	[smem:$0x3F9F] =	sst s1;
	(tag) =	ssettag s2;
	_ =	strace s9  }
0x27: {  	s1 =	sld [smem:$0x3FAF]  }
0x28: {  	s2 =	sld [smem:$0x3FB0]  }
0x29: {  	s4 =	sld [smem:$0x3FB2]  }
0x2a: {  	p0 =	seq.s32 s5, $0x0;
	s5 =	sld [smem:$0x3FB3]  }
0x2b: {  	s6 =	sld [smem:$0x3FB4]  }
0x2c: {  	s7 =	sld [smem:$0x3FB5]  }
0x2d: {  	s3 =	simm.s32 $0x108;
	s8 =	sld [smem:$0x3FB6]  }
0x2e: {  	s3 =	simm.s32 @!p0 $0x1082;
	s9 =	sld [smem:$0x3FB7]  }
0x2f: {  	lr =	sadd.s32 s0, s3;
	s0 =	sld [smem:$0x3FAE]  }
0x30: {  	s3 =	sld [smem:$0x3FB1]  }
0x31: {  	[smem:$0x3FBA] =	sst s10  }
0x32: {  	s10 =	sld [smem:$0x3FB8];
	_ =	sdelay $0x3  }
0x33: {  	p0 =	seq.s32 s10, $0x1;
	s10 =	sld [smem:$0x3FBA];
	_ =	sdelay $0x3  }
0x34: {  	[smem:$0x3FBA] =	sst s10  }
0x35: {  	s10 =	sld [smem:$0x3FB9];
	_ =	sdelay $0x3  }
0x36: {  	p1 =	seq.s32 s10, $0x1;
	s10 =	sld [smem:$0x3FBA];
	_ =	sdelay $0x3  }
0x37: {  	[smem:$0x3FBA] =	sst s10  }
0x38: {  	s10 =	sld [smem:$0x3FBB]  }
0x39: {  	_ = 	snop;
	(pc) =	sbr.ind lr, $3  }
0x3a: {  	_ = 	snop  }
0x3b: {  	_ = 	snop  }
0x3c: {  	p2 =	seq.s32 s10, $0x1;
	s10 =	sld [smem:$0x3FBA]  }
0x3d: {  	_ =	shalt  }
0x3e: {  	_ =	shalt  }
0x3f: {  	_ =	shalt  }
0x40: {  	_ =	shalt  }
0x41: {  	_ =	shalt  }
0x42: {  	_ =	shalt  }
0x43: {  	_ =	shalt  }
0x44: {  	_ =	shalt  }
0x45: {  	_ =	shalt  }
0x46: {  	_ =	shalt  }
0x47: {  	_ =	shalt  }
0x48: {  	_ =	shalt  }
0x49: {  	_ =	shalt  }
0x4a: {  	_ =	shalt  }
0x4b: {  	_ =	shalt  }
0x4c: {  	_ =	shalt  }
0x4d: {  	_ =	shalt  }
0x4e: {  	_ =	shalt  }
0x4f: {  	_ =	shalt  }
0x50: {  	_ =	shalt  }
0x51: {  	_ =	shalt  }
0x52: {  	_ =	shalt  }
0x53: {  	_ =	shalt  }
0x54: {  	_ =	shalt  }
0x55: {  	_ =	shalt  }
0x56: {  	_ =	shalt  }
0x57: {  	_ =	shalt  }
0x58: {  	_ =	shalt  }
0x59: {  	_ =	shalt  }
0x5a: {  	_ =	shalt  }
0x5b: {  	_ =	shalt  }
0x5c: {  	_ =	shalt  }
0x5d: {  	_ =	shalt  }
0x5e: {  	_ =	shalt  }
0x5f: {  	_ =	shalt  }
0x60: {  	_ =	shalt  }
0x61: {  	_ =	shalt  }
0x62: {  	_ =	shalt  }
0x63: {  	_ =	shalt  }
0x64: {  	_ =	shalt  }
0x65: {  	_ =	shalt  }
0x66: {  	_ =	shalt  }
0x67: {  	_ =	shalt  }
0x68: {  	_ =	shalt  }
0x69: {  	_ =	shalt  }
0x6a: {  	_ =	shalt  }
0x6b: {  	_ =	shalt  }
0x6c: {  	_ =	shalt  }
0x6d: {  	_ =	shalt  }
0x6e: {  	_ =	shalt  }
0x6f: {  	_ =	shalt  }
0x70: {  	_ =	shalt  }
0x71: {  	_ =	shalt  }
0x72: {  	_ =	shalt  }
0x73: {  	_ =	shalt  }
0x74: {  	_ =	shalt  }
0x75: {  	_ =	shalt  }
0x76: {  	_ =	shalt  }
0x77: {  	_ =	shalt  }
0x78: {  	_ =	shalt  }
0x79: {  	_ =	shalt  }
0x7a: {  	_ =	shalt  }
0x7b: {  	_ =	shalt  }
0x7c: {  	_ =	shalt  }
0x7d: {  	_ =	shalt  }
0x7e: {  	_ =	shalt  }
0x7f: {  	_ =	shalt  }
0x80: {  	_ =	shalt  }
0x81: {  	_ =	shalt  }
0x82: {  	_ =	shalt  }
0x83: {  	_ =	shalt  }
0x84: {  	_ =	shalt  }
0x85: {  	_ =	shalt  }
0x86: {  	_ =	shalt  }
0x87: {  	_ =	shalt  }
.Lfunc_end0:
.L_simem_size_0:
called_computation_lowered:
.L_overlay_start_0:
0x88: {  	s2 =	sld [smem:$0x3FD9]  }
0x89: {  	s3 =	sld [smem:$0x3FFE];
	_ =	sdelay $0x1  }
0x8a: {  	s1 =	srdreg.scid  }
0x8b: {  	s0 =	sand.u32 $0x1, s1  }
0x8c: {  	s17 =	sshll.u32 s0, $0xA;
	s2 =	sadd.s32 s3, s2  }
0x8d: {  	s2 =	sadd.s32 s2, s17  }
0x8e: {  	[smem:$0x3FC6] =	sst s2  }
0x8f: {  	_ = 	snop  }
0x90: {  	s2 =	sld [smem:$0x3FD0];
	(tm) =	ssettm $0x1  }
0x91: {  	s18 =	sld [smem:$0x3FFB];
	_ =	sdelay $0x3  }
0x92: {  	_ =	strace s18  }
0x93: {  	s3 =	sld [smem:$0x3FFC];
	_ =	sdelay $0x3  }
0x94: {  	_ =	strace s3  }
0x95: {  	s3 =	sld [smem:$0x3FFD];
	_ =	sdelay $0x3  }
0x96: {  	_ =	strace s3  }
0x97: {  	_ =	strace $0x8FFFFFFF  }
0x98: {  	s19 =	sld [smem:$0x3FDB];
	_ =	sdelay $0x1  }
0x99: {  	s4 =	simm.s32 $_scs_section_size  }
0x9a: {  	s5 =	simm.s32 $_size__tile_overlayer_lowered;
	s6 =	simm.s32 $_tile_overlayer_lowered  }
0x9b: {  	s22 =	simm.s32 $0x1BFF;
	s21 =	sshll.u32 s6, $0x1;
	s3 =	sadd.s32 s4, s19  }
0x9c: {  	s7 =	simm.s32 $0x0;
	s20 =	sshll.u32 s5, $0x1;
	s5 =	sadd.s32 s21, s3  }
0x9d: {  	[timem:s7], [sflag:s22] =	dma.local [hbm:s5], s20  }
0x9e: {  	_ =	swait.ge [sflag:s22], s20  }
0x9f: {  	s4 =	ssub.s32 $0x0, s20;
	[sflag:s22] =	ssyncset.done $0x0  }
0xa0: {  	[sflag:s22] =	ssyncadd.s32 s4;
	_ =	sdelay $0x1  }
0xa1: {  	s23 =	simm.s32 $0x1B8B  }
0xa2: {  	_ =	swait.ge [sflag:s23], $0x1  }
0xa3: {  	[sflag:s23] =	ssyncset.done $0x0  }
0xa4: {  	s25 =	simm.s32 $0x1B8E;
	s24 =	sld [smem:$0x3FFE];
	[sflag:s23] =	ssyncadd.s32 $0xFFFFFFFF  }
0xa5: {  	s26 =	simm.s32 $execute0_lowered;
	[smem:$0x3FD2] =	sst s25  }
0xa6: {  	s5 =	sshll.u32 s26, $0x1;
	_ =	strace $0x80000046;
	[dreg:$0x1] =	wrdreg $0xFFFFFFFF  }
0xa7: {  	s28 =	simm.s32 $_size_execute0_lowered;
	s3 =	sadd.s32 s3, s5;
	[dreg:$0x0] =	wrdreg $0x0  }
0xa8: {  	s5 =	sshll.u32 s28, $0x1;
	[dreg:$0x2] =	wrdreg s3  }
0xa9: {  	[dreg:$0x3] =	wrdreg s5  }
0xaa: {  	[dreg:$0x4] =	wrdreg $0xC0  }
0xab: {  	_ =	task [dreg:s7], $0x5FFFF  }
0xac: {  	[dreg:$0x1] =	wrdreg $0xFFFFFFFF  }
0xad: {  	[dreg:$0x0] =	wrdreg $0x60  }
0xae: {  	[dreg:$0x2] =	wrdreg s24  }
0xaf: {  	[dreg:$0x3] =	wrdreg s2  }
0xb0: {  	[dreg:$0x4] =	wrdreg $0x9  }
0xb1: {  	_ =	task.clear_ibuf [dreg:s7], $0x5FFFF;
	_ =	strace $0x90000046  }
0xb2: {  	s29 =	simm.s32 $0x9;
	_ =	strace $0x80000048  }
0xb3: {  	_ =	swait.ge [sflag:s29], $0x1  }
0xb4: {  	[sflag:s29] =	ssyncadd.s32 $0xFFFFFFFF  }
0xb5: {  	_ =	strace $0x90000048  }
0xb6: {  	_ =	sfence  }
0xb7: {  	s30 =	sld [smem:$0x0];
	_ =	sdelay $0x2  }
0xb8: {  	s31 =	sshll.u32 s1, $0xD;
	s1 =	sshrl.u32 s1, $0x2  }
0xb9: {  	s3 =	sand.u32 $0x4000, s31;
	s1 =	sadd.s32 s1, s30  }
0xba: {  	s0 =	sor.u32 s3, s0;
	s1 =	sshll.u32 s1, $0x11  }
0xbb: {  	s0 =	sor.u32 s1, s0  }
0xbc: {  	s0 =	sadd.s32 $0x8F2B, s0  }
0xbd: {  	[sflag:s0] =	ssyncadd.remote.s32 $0x1  }
0xbe: {  	_ =	sfence.sel $0xFFFF  }
0xbf: {  	[dreg:$0x0] =	wrdreg $0xFFFFFFFF;
	(pc) =	sbr.abs _section_cstart, $3  }
0xc0: {  	[dreg:$0x1] =	wrdreg $0xFFFFFFFF  }
0xc1: {  	_ =	task.clear_ibuf [dreg:s7], $0x2FFFF;
	_ =	strace $0x9FFFFFFF  }
0xc2: {  	(tm) =	ssettm $0x7FFFFFFF  }
0xc3: {  	_ =	shalt  }
tec
execute0_lowered:
.L_overlay_start_1:
0x0: {  	(tag) =	ssettag $0x1  }
0x1: {  	s5 =	rddreg [dreg:$0x0]  }
0x2: {  	s1 =	rddreg [dreg:$0x1]  }
0x3: {  	s0 =	rddreg [dreg:$0x2];
	s2 =	simm.s32 $0x0;
	s3 =	srdreg.scid  }
0x4: {  	s10 =	simm.s32 $0x2;
	s11 =	simm.s32 $0x80;
	s12 =	simm.s32 $0x6400  }
0x5: {  	s13 =	simm.s32 $0x1;
	s14 =	simm.s32 $0x3;
	s15 =	simm.s32 $0x0  }
0x6: {  	[smem:$0x7FF] =	sst s2;
	s6 =	sand.u32 $0x1, s3;
	s4 =	sadd.s32 $0x800, s5  }
0x7: {  	s3 =	stileid.u32;
	s5 =	sadd.s32 $0xF42C00, s5;
	s7 =	ssub.s32 $0x2, s6  }
0x8: {  	s9 =	sshll.u32 s3, $0xA;
	s6 =	sshll.u32 s6, $0x9;
	s8 =	sshrl.u32 s7, $0x1  }
0x9: {  	_ =	strace $0x80000047;
	s6 =	sor.u32 s6, s9;
	s7 =	ssub.s32 s7, s8  }
0xa: {  	v0 =	vimm.f32 $0.0e+00;
	s9 =	simm.s32 $0x20000;
	s8 =	simm.s32 $0x400;
	s7 =	smax.u32 s7, $0x1  }
.LBB2_1:
0xb: {  	s16 =	simm.s32 $0x0  }
.LBB2_2:
0xc: {  	s17 =	sshll.u32 s16, $0x7  }
0xd: {  	s17 =	sadd.s32 s6, s17  }
0xe: {  	s19 =	simm.s32 $0x0;
	s18 =	sadd.s32 s4, s17  }
0xf: {  	[tilespmem:s19], [sflag:$0x2] =	stream.strided.gather [hbm4b:s18+s8], $0x6400, s9, s8, $0x38;
	[tilespmem:$0x8400] =	vst v63  }
0x10: {  	s19 =	simm.s32 $0x100;
	s18 =	simm.s32 $0x0  }
.LBB2_3:
0x11: {  	p0 =	sne.s32 s19, $0x7F00;
	[tilespmem:s18+$0x6430] =	vst v0;
	s20 =	smov.u32 s19;
	s19 =	sadd.s32 $0x100, s19  }
.Ltmp0:
0x12: {  	[tilespmem:s18+$0x6420] =	vst v0;
	(pc) =	sbr.rel @p0 .LBB2_3-.Ltmp0, $3  }
0x13: {  	[tilespmem:s18+$0x6400] =	vst v0  }
0x14: {  	[tilespmem:s18+$0x6410] =	vst v0;
	_ =	sdelay $0x1  }
0x15: {  	s18 =	sshra.s32 s20, $0x2  }
0x16: {  	[tilespmem:s18+$0x6430] =	vst v0  }
0x17: {  	[tilespmem:s18+$0x6420] =	vst v0  }
0x18: {  	[tilespmem:s18+$0x6400] =	vst v0  }
0x19: {  	[tilespmem:s18+$0x6410] =	vst v0  }
0x1a: {  	_ =	swait.ge [sflag:s10], $0x6400  }
0x1b: {  	[sflag:s10] =	ssyncset.done $0x0  }
0x1c: {  	s24 =	simm.s32 $0x0;
	[sflag:s10] =	ssyncadd.s32 $0xFFFF9C00  }
0x1d: {  	[tilespmem:s12], [sflag:$0x1] =	stream.indirect.gather.add.f32 [hbm:s5], $0x40, s24, s11, $0xb8;
	[tilespmem:$0x8400] =	vst v63  }
0x1e: {  	s25 =	simm.s32 $0x80  }
0x1f: {  	[tilespmem:s12], [sflag:$0x1] =	stream.indirect.gather.add.f32 [hbm:s5], $0x40, s25, s11, $0xb8;
	[tilespmem:$0x8400] =	vst v63  }
0x20: {  	s26 =	simm.s32 $0x100  }
0x21: {  	[tilespmem:s12], [sflag:$0x1] =	stream.indirect.gather.add.f32 [hbm:s5], $0x40, s26, s11, $0xb8;
	[tilespmem:$0x8400] =	vst v63  }
0x22: {  	s28 =	simm.s32 $0x180  }
0x23: {  	[tilespmem:s12], [sflag:$0x1] =	stream.indirect.gather.add.f32 [hbm:s5], $0x40, s28, s11, $0xb8;
	[tilespmem:$0x8400] =	vst v63  }
0x24: {  	s29 =	simm.s32 $0x200  }
0x25: {  	[tilespmem:s12], [sflag:$0x1] =	stream.indirect.gather.add.f32 [hbm:s5], $0x40, s29, s11, $0xb8;
	[tilespmem:$0x8400] =	vst v63  }
0x26: {  	s30 =	simm.s32 $0x280  }
0x27: {  	[tilespmem:s12], [sflag:$0x1] =	stream.indirect.gather.add.f32 [hbm:s5], $0x40, s30, s11, $0xb8;
	[tilespmem:$0x8400] =	vst v63  }
0x28: {  	s31 =	simm.s32 $0x300;
	s18 =	simm.s32 $0x1000;
	s19 =	simm.s32 $0x380  }
0x29: {  	[tilespmem:s12], [sflag:$0x1] =	stream.indirect.gather.add.f32 [hbm:s5], $0x40, s31, s11, $0xb8;
	[tilespmem:$0x8400] =	vst v63  }
.LBB2_5:
0x2a: {  	[tilespmem:s12], [sflag:$0x1] =	stream.indirect.gather.add.f32 [hbm:s5], $0x40, s19, s11, $0xb8;
	[tilespmem:$0x8400] =	vst v63  }
0x2b: {  	s19 =	sshra.s32 s18, $0x2;
	p0 =	sne.s32 s18, $0x18000;
	s18 =	sadd.s32 $0x1000, s18  }
0x2c: {  	[tilespmem:s12], [sflag:$0x1] =	stream.indirect.gather.add.f32 [hbm:s5], $0x40, s19, s11, $0xb8;
	[tilespmem:$0x8400] =	vst v63  }
0x2d: {  	s20 =	sadd.s32 $0x80, s19  }
0x2e: {  	[tilespmem:s12], [sflag:$0x1] =	stream.indirect.gather.add.f32 [hbm:s5], $0x40, s20, s11, $0xb8;
	[tilespmem:$0x8400] =	vst v63  }
0x2f: {  	s20 =	sadd.s32 $0x100, s19  }
0x30: {  	[tilespmem:s12], [sflag:$0x1] =	stream.indirect.gather.add.f32 [hbm:s5], $0x40, s20, s11, $0xb8;
	[tilespmem:$0x8400] =	vst v63  }
0x31: {  	s20 =	sadd.s32 $0x180, s19  }
0x32: {  	[tilespmem:s12], [sflag:$0x1] =	stream.indirect.gather.add.f32 [hbm:s5], $0x40, s20, s11, $0xb8;
	[tilespmem:$0x8400] =	vst v63  }
0x33: {  	s20 =	sadd.s32 $0x200, s19  }
0x34: {  	[tilespmem:s12], [sflag:$0x1] =	stream.indirect.gather.add.f32 [hbm:s5], $0x40, s20, s11, $0xb8;
	[tilespmem:$0x8400] =	vst v63  }
.Ltmp1:
0x35: {  	s20 =	sadd.s32 $0x280, s19;
	(pc) =	sbr.rel @p0 .LBB2_5-.Ltmp1, $4  }
0x36: {  	[tilespmem:s12], [sflag:$0x1] =	stream.indirect.gather.add.f32 [hbm:s5], $0x40, s20, s11, $0xb8;
	[tilespmem:$0x8400] =	vst v63  }
0x37: {  	s20 =	sadd.s32 $0x300, s19  }
0x38: {  	[tilespmem:s12], [sflag:$0x1] =	stream.indirect.gather.add.f32 [hbm:s5], $0x40, s20, s11, $0xb8;
	[tilespmem:$0x8400] =	vst v63  }
0x39: {  	s19 =	sadd.s32 $0x380, s19  }
0x3a: {  	[tilespmem:s12], [sflag:$0x1] =	stream.indirect.gather.add.f32 [hbm:s5], $0x40, s19, s11, $0xb8;
	[tilespmem:$0x8400] =	vst v63  }
0x3b: {  	s18 =	simm.s32 $0xC8  }
.LBB2_7:
0x3c: {  	p0 =	sne.s32 s18, $0x1  }
.Ltmp2:
0x3d: {  	_ = 	snop;
	(pc) =	sbr.rel @p0 .LBB2_7-.Ltmp2, $4  }
0x3e: {  	_ = 	snop  }
0x3f: {  	_ =	swait.ge [sflag:s13], $0x2000  }
0x40: {  	[sflag:s13] =	ssyncset.done $0x0  }
0x41: {  	s18 =	sadd.s32 $0xFFFFFFFF, s18;
	[sflag:s13] =	ssyncadd.s32 $0xFFFFE000  }
0x42: {  	s18 =	simm.s32 $0x0  }
0x43: {  	v1 =	vld [tilespmem:s18+$0x6400]  }
0x44: {  	v3 =	vld [tilespmem:s18+$0x6410]  }
0x45: {  	s19 =	simm.s32 $0x100;
	v2 =	vld [tilespmem:s18+$0x6420]  }
.LBB2_9:
0x46: {  	p0 =	sne.s32 s19, $0x7F00;
	v4 =	vld [tilespmem:s18+$0x6430];
	_ =	sdelay $0x1  }
0x47: {  	v1 =	vmul.f32 $4.999999890e-03, v1  }
.Ltmp3:
0x48: {  	v3 =	vmul.f32 $4.999999890e-03, v3;
	(pc) =	sbr.rel @p0 .LBB2_9-.Ltmp3, $4  }
0x49: {  	s20 =	sshra.s32 s19, $0x2;
	[tilespmem:s18+$0x6400] =	vst v1;
	v2 =	vmul.f32 $4.999999890e-03, v2  }
0x4a: {  	v1 =	vld [tilespmem:s20+$0x6400];
	[tilespmem:s18+$0x6410] =	vst v3;
	v4 =	vmul.f32 $4.999999890e-03, v4  }
0x4b: {  	v3 =	vld [tilespmem:s20+$0x6410];
	[tilespmem:s18+$0x6420] =	vst v2  }
0x4c: {  	s19 =	sadd.s32 $0x100, s19;
	v2 =	vld [tilespmem:s20+$0x6420];
	[tilespmem:s18+$0x6430] =	vst v4;
	s18 =	smov.u32 s20  }
0x4d: {  	v4 =	vld [tilespmem:s18+$0x6430];
	_ =	sdelay $0x1  }
0x4e: {  	v1 =	vmul.f32 $4.999999890e-03, v1  }
0x4f: {  	v3 =	vmul.f32 $4.999999890e-03, v3  }
0x50: {  	[tilespmem:s18+$0x6400] =	vst v1;
	v1 =	vmul.f32 $4.999999890e-03, v2  }
0x51: {  	s16 =	sadd.s32 $0x1, s16;
	[tilespmem:s18+$0x6410] =	vst v3;
	v2 =	vmul.f32 $4.999999890e-03, v4  }
0x52: {  	s17 =	sshll.u32 s17, $0x3;
	p0 =	sne.s32 s16, $0x4;
	[tilespmem:s18+$0x6420] =	vst v1  }
.Ltmp4:
0x53: {  	s17 =	sadd.s32 s1, s17;
	[tilespmem:s18+$0x6430] =	vst v2;
	(pc) =	sbr.rel @p0 .LBB2_2-.Ltmp4, $4  }
0x54: {  	[hbm4b:s17+s2] =	stream.linear.scatter [tilespmem:s12], [sflag:$0x3], $0x2000, $0x38;
	[tilespmem:$0x8400] =	vst v63  }
0x55: {  	_ =	swait.ge [sflag:s14], $0x2000  }
0x56: {  	[sflag:s14] =	ssyncset.done $0x0  }
0x57: {  	[sflag:s14] =	ssyncadd.s32 $0xFFFFE000  }
0x58: {  	s15 =	sadd.s32 $0x1, s15  }
0x59: {  	p0 =	sne.s32 s15, s7  }
.Ltmp5:
0x5a: {  	_ = 	snop;
	(pc) =	sbr.rel @p0 .LBB2_1-.Ltmp5, $1  }
0x5b: {  	_ =	sdelay $0x3  }
0x5c: {  	_ =	sfence.sel $0x180000  }
0x5d: {  	[bflag:$0x0] =	sbarrier.arrive $0xFFFF  }
0x5e: {  	p0 =	sne.s32 s3, $0x0;
	_ =	strace $0x90000047  }
0x5f: {  	s0 =	sadd.s32 @!p0 $0x100000, s0;
	[bflag:$0x2] =	sbarrier.arrive $0xFFFF  }
0x60: {  	[sflag:s0] =	ssyncadd.tile.s32 @!p0 $0x1;
	_ =	shalt  }
.Lfunc_end2:
_tile_overlayer_lowered:
.L_overlay_start_2:
0x61: {  	(tag) =	ssettag $0x2  }
0x62: {  	s0 =	rddreg [dreg:$0x0];
	s2 =	stileid.u32  }
0x63: {  	s1 =	rddreg [dreg:$0x1];
	p0 =	sne.s32 s2, $0x0  }
0x64: {  	s3 =	rddreg [dreg:$0x2];
	[bflag:$0x3] =	sbarrier.arrive $0xFFFF;
	s2 =	simm.s32 @!p0 $0x1C03  }
0x65: {  	[timem:s3], [sflag:s2] =	dma.local @!p0 [hbm:s0], s1  }
0x66: {  	s0 =	simm.s32 @!p0 $0x3  }
0x67: {  	_ =	swait.ge @!p0 [sflag:s0], s1  }
0x68: {  	s1 =	ssub.s32 @!p0 $0x0, s1;
	[sflag:s0] =	ssyncset.done @!p0 $0x0  }
0x69: {  	[sflag:s0] =	ssyncadd.s32 @!p0 s1  }
0x6a: {  	[bflag:$0x3] =	sbarrier.arrive $0xFFFF  }
0x6b: {  	_ =	shalt  }

</sc_bundles>
